<compile_context>
chip_gen: v7x
topology: tpu7x:2x2x1
jax: 0.10.2.dev20260603
libtpu: 0.0.44.dev20260713+nightly
codegen_flags: <defaults>
</compile_context>

<pallas_src>
import functools

import jax
import jax.numpy as jnp
from jax import lax
from jax.experimental import pallas as pl
from jax.experimental.pallas import tpu as pltpu
from jax.experimental.pallas import tpu_sc as plsc


def _matvec_body(e_ref, w_ref, s_ref):
    s_ref[0] = lax.dot_general(
        w_ref[...], e_ref[...], (((1,), (0,)), ((), ())),
        preferred_element_type=jnp.float32,
    )


def _table_dot(emb, W1, Vc=32768):
    V, D = emb.shape
    embT = emb.T
    grid = pl.cdiv(V, Vc)
    s2d = pl.pallas_call(
        _matvec_body,
        grid=(grid,),
        in_specs=[
            pl.BlockSpec((D, Vc), lambda i: (0, i)),
            pl.BlockSpec((1, D), lambda i: (0, 0)),
        ],
        out_specs=pl.BlockSpec((1, 1, Vc), lambda i: (i, 0, 0)),
        out_shape=jax.ShapeDtypeStruct((grid, 1, Vc), jnp.float32),
    )(embT, W1)
    return s2d.reshape(-1)


def _make_gather(SV, NW, NCH, CH, NC, NS):
    mesh = plsc.VectorSubcoreMesh(core_axis_name="c", subcore_axis_name="s")
    stage = SV // NS

    @functools.partial(
        pl.kernel,
        out_type=jax.ShapeDtypeStruct((NW, NCH, CH), jnp.float32),
        mesh=mesh,
        scratch_types=[
            pltpu.VMEM((NCH, CH), jnp.int32),
            pltpu.VMEM((NCH, CH), jnp.float32),
            pltpu.VMEM_SHARED((SV,), jnp.float32),
            pltpu.SemaphoreType.DMA,
        ],
    )
    def gather_k(s_hbm, x_hbm, out_hbm, idx_v, rows_v, s_sh, sem):
        cid = lax.axis_index("c")
        sid = lax.axis_index("s")
        wid = sid * NC + cid
        pltpu.sync_copy(
            s_hbm.at[pl.ds(sid * stage, stage)],
            s_sh.at[pl.ds(sid * stage, stage)],
        )
        pltpu.sync_copy(x_hbm.at[wid], idx_v)
        plsc.subcore_barrier()

        def body(j, carry):
            pltpu.async_copy(s_sh.at[idx_v.at[j]], rows_v.at[j], sem)
            return carry

        lax.fori_loop(0, NCH, body, 0)
        pltpu.make_async_copy(out_hbm.at[wid], rows_v, sem).wait()
        pltpu.sync_copy(rows_v, out_hbm.at[wid])

    return gather_k


def _head_body(rt_ref, w2_ref, b1_ref, o_ref):
    rt = rt_ref[...]
    w2 = w2_ref[...]
    logits = lax.dot_general(
        w2, rt, (((1,), (0,)), ((), ())),
        preferred_element_type=jnp.float32,
    )
    bias = b1_ref[0, 0] * jnp.sum(w2, axis=1)
    logits = logits + bias[:, None]
    m = jnp.max(logits, axis=0, keepdims=True)
    lse = m + jnp.log(jnp.sum(jnp.exp(logits - m), axis=0, keepdims=True))
    o_ref[...] = logits - lse


def _head(rt, W2, b1):
    L, B = rt.shape
    C = W2.shape[0]
    return pl.pallas_call(
        _head_body,
        in_specs=[
            pl.BlockSpec((L, B), lambda: (0, 0)),
            pl.BlockSpec((C, L), lambda: (0, 0)),
            pl.BlockSpec((1, 1), lambda: (0, 0)),
        ],
        out_specs=pl.BlockSpec((C, B), lambda: (0, 0)),
        out_shape=jax.ShapeDtypeStruct((C, B), jnp.float32),
    )(rt, W2, b1.reshape(1, 1))


def kernel(x, emb, W1, b1, W2):
    B, L = x.shape
    V, D = emb.shape

    s = _table_dot(emb, W1)

    info = plsc.get_sparse_core_info()
    NC, NS = info.num_cores, info.num_subcores
    NW = NC * NS
    CH = 128
    total = B * L
    NCH = total // (NW * CH)
    assert total == NW * NCH * CH

    xr = x.T.reshape(NW, NCH, CH)
    r = _make_gather(s.shape[0], NW, NCH, CH, NC, NS)(s, xr)

    return _head(r.reshape(L, B), W2, b1).T

# --- scband reference (transcript-rebuilt; emitter-appended) ---
"""Pipeline reference for scband-model-76510547411050 (READ-ONLY COPY).

The authoritative reference and input builder live on the scoring server;
editing this copy changes nothing except your own understanding.
"""

import jax, jax.numpy as jnp
import numpy as np

V = 1000000
D = 64
L = 200
B = 4096
C = 2


def setup_inputs(seed: int = 0) -> dict:
    key = jax.random.key(seed)
    k1, k2, k3 = jax.random.split(key, 3)
    # token indices [B, L]
    x = jax.random.randint(k1, (B, L), 0, V, dtype=jnp.int32)
    # embedding table: constant 1/numel init, padding row 0 zeroed (per torch init)
    emb = jnp.full((V, D), 1.0 / (V * D), dtype=jnp.float32).at[0].set(0.0)
    # word_reduction: Linear(D -> 1) with bias
    W1 = jax.random.normal(k2, (1, D), dtype=jnp.float32) * (1.0 / np.sqrt(D))
    b1 = jnp.zeros((1,), dtype=jnp.float32)
    # sentence_reduction: Linear(L -> C=2), no bias
    W2 = jax.random.normal(k3, (C, L), dtype=jnp.float32) * (1.0 / np.sqrt(L))
    return {"x": x, "emb": emb, "W1": W1, "b1": b1, "W2": W2}


def reference(x, emb, W1, b1, W2):
    # embedding lookup: [B, L, D]
    e = jnp.take(emb, x, axis=0)
    # word_reduction: [B, L, 1]
    r = e @ W1.T + b1
    # reshape to [B, L]
    r = r.reshape(-1, L)
    # sentence_reduction: [B, C]
    logits = r @ W2.T
    # LogSoftmax(dim=1)
    return jax.nn.log_softmax(logits, axis=1)

if __name__ == "__main__":
    import jax
    _d = setup_inputs()
    print(jax.jit(kernel)(*tuple(_d.values())))

</pallas_src>

<mosaic_0001>
#map = affine_map<(d0, d1) -> (0)>
#map1 = affine_map<(d0, d1) -> (0, 0, 0)>
module attributes {stable_mosaic.version = 14 : i64} {
  func.func @gather_k(%arg0: i32, %arg1: i32, %arg2: memref<1015808xf32, #tpu.memory_space<hbm>>, %arg3: memref<32x200x128xi32, #tpu.memory_space<hbm>>, %arg4: memref<32x200x128xf32, #tpu.memory_space<hbm>>, %arg5: memref<200x128xi32, #tpu.memory_space<vmem>>, %arg6: memref<200x128xf32, #tpu.memory_space<vmem>>, %arg7: memref<1015808xf32, #tpu.memory_space<vmem_shared>>, %arg8: memref<!tpu.dma_semaphore, #tpu.memory_space<semaphore_mem>>) attributes {dimension_semantics = [#tpu.dimension_semantics<core_parallel>, #tpu.dimension_semantics<subcore_parallel>], iteration_bounds = array<i64: 2, 16>, scalar_prefetch = 0 : i64, scratch_operands = 4 : i64, tpu.core_type = #tpu.core_type<sc_vector_subcore>, window_params = [{transform_indices = #map}, {transform_indices = #map1}, {transform_indices = #map1}]} {
    %mul3A = arith.constant 2 : i32
    %mul3A_0 = arith.muli %arg1, %mul3A : i32
    %add3A = arith.addi %mul3A_0, %arg0 : i32
    %mul3A_1 = arith.constant 63488 : i32
    %mul3A_2 = arith.muli %arg1, %mul3A_1 : i32
    %mul3A_3 = arith.constant 63488 : i32
    %mul3A_4 = arith.muli %arg1, %mul3A_3 : i32
    "tpu.region"() ({
      %run_scoped3A = tpu.sem_alloc : memref<!tpu.dma_semaphore, #tpu.memory_space<semaphore_mem>>
      %dma_start3A = tpu.memref_slice %arg7[%mul3A_4] : memref<1015808xf32, #tpu.memory_space<vmem_shared>> -> memref<63488xf32, #tpu.memory_space<vmem_shared>>
      %dma_start3A_17 = tpu.memref_slice %arg2[%mul3A_2] : memref<1015808xf32, #tpu.memory_space<hbm>> -> memref<63488xf32, #tpu.memory_space<hbm>>
      tpu.enqueue_dma source(%dma_start3A_17 : memref<63488xf32, #tpu.memory_space<hbm>>) target(%dma_start3A : memref<63488xf32, #tpu.memory_space<vmem_shared>>) target_semaphore(%run_scoped3A : memref<!tpu.dma_semaphore, #tpu.memory_space<semaphore_mem>>)
      %dma_wait3A_18 = tpu.memref_slice %arg7[%mul3A_4] : memref<1015808xf32, #tpu.memory_space<vmem_shared>> -> memref<63488xf32, #tpu.memory_space<vmem_shared>>
      %dma_wait3A_19 = tpu.memref_slice %arg2[%mul3A_2] : memref<1015808xf32, #tpu.memory_space<hbm>> -> memref<63488xf32, #tpu.memory_space<hbm>>
      tpu.wait_dma2 semaphore(%run_scoped3A : memref<!tpu.dma_semaphore, #tpu.memory_space<semaphore_mem>>) src(%dma_wait3A_19 : memref<63488xf32, #tpu.memory_space<hbm>>) dst(%dma_wait3A_18 : memref<63488xf32, #tpu.memory_space<vmem_shared>>)
      tpu.yield
    }) : () -> ()
    "tpu.region"() ({
      %run_scoped3A = tpu.sem_alloc : memref<!tpu.dma_semaphore, #tpu.memory_space<semaphore_mem>>
      %dma_start3A = arith.constant 0 : i32
      %dma_start3A_17 = arith.constant 0 : i32
      %dma_start3A_18 = tpu.memref_slice %arg3[%add3A, %dma_start3A, %dma_start3A_17] : memref<32x200x128xi32, #tpu.memory_space<hbm>> -> memref<1x200x128xi32, #tpu.memory_space<hbm>>
      %dma_start3A_19 = tpu.memref_squeeze %dma_start3A_18 : memref<1x200x128xi32, #tpu.memory_space<hbm>> -> memref<200x128xi32, #tpu.memory_space<hbm>>
      %dma_start3A_20 = arith.constant 0 : i32
      %dma_start3A_21 = arith.constant 0 : i32
      %dma_start3A_22 = tpu.memref_slice %arg3[%add3A, %dma_start3A_20, %dma_start3A_21] : memref<32x200x128xi32, #tpu.memory_space<hbm>> -> memref<1x200x128xi32, #tpu.memory_space<hbm>>
      %dma_start3A_23 = tpu.memref_squeeze %dma_start3A_22 : memref<1x200x128xi32, #tpu.memory_space<hbm>> -> memref<200x128xi32, #tpu.memory_space<hbm>>
      tpu.enqueue_dma source(%dma_start3A_23 : memref<200x128xi32, #tpu.memory_space<hbm>>) target(%arg5 : memref<200x128xi32, #tpu.memory_space<vmem>>) target_semaphore(%run_scoped3A : memref<!tpu.dma_semaphore, #tpu.memory_space<semaphore_mem>>)
      %dma_wait3A_24 = arith.constant 0 : i32
      %dma_wait3A_25 = arith.constant 0 : i32
      %dma_wait3A_26 = tpu.memref_slice %arg3[%add3A, %dma_wait3A_24, %dma_wait3A_25] : memref<32x200x128xi32, #tpu.memory_space<hbm>> -> memref<1x200x128xi32, #tpu.memory_space<hbm>>
      %dma_wait3A_27 = tpu.memref_squeeze %dma_wait3A_26 : memref<1x200x128xi32, #tpu.memory_space<hbm>> -> memref<200x128xi32, #tpu.memory_space<hbm>>
      %dma_wait3A_28 = arith.constant 0 : i32
      %dma_wait3A_29 = arith.constant 0 : i32
      %dma_wait3A_30 = tpu.memref_slice %arg3[%add3A, %dma_wait3A_28, %dma_wait3A_29] : memref<32x200x128xi32, #tpu.memory_space<hbm>> -> memref<1x200x128xi32, #tpu.memory_space<hbm>>
      %dma_wait3A_31 = tpu.memref_squeeze %dma_wait3A_30 : memref<1x200x128xi32, #tpu.memory_space<hbm>> -> memref<200x128xi32, #tpu.memory_space<hbm>>
      tpu.wait_dma2 semaphore(%run_scoped3A : memref<!tpu.dma_semaphore, #tpu.memory_space<semaphore_mem>>) src(%dma_wait3A_31 : memref<200x128xi32, #tpu.memory_space<hbm>>) dst(%arg5 : memref<200x128xi32, #tpu.memory_space<vmem>>)
      tpu.yield
    }) : () -> ()
    %barrier3A = arith.constant 0 : index
    tpu.barrier barrier_id(%barrier3A)
    %scan3A = arith.constant 0 : i32
    %scan3A_5 = arith.constant 0 : i32
    %scan3A_6 = arith.constant 200 : i32
    %scan3A_7 = arith.addi %scan3A_5, %scan3A_6 : i32
    %scan3A_8 = arith.constant 1 : i32
    scf.for %scan3A_17 = %scan3A_5 to %scan3A_7 step %scan3A_8  : i32 {
      %dma_start3A = arith.constant 0 : i32
      %dma_start3A_18 = tpu.memref_slice %arg6[%scan3A_17, %dma_start3A] : memref<200x128xf32, #tpu.memory_space<vmem>> -> memref<1x128xf32, #tpu.memory_space<vmem>>
      %dma_start3A_19 = tpu.memref_squeeze %dma_start3A_18 : memref<1x128xf32, #tpu.memory_space<vmem>> -> memref<128xf32, #tpu.memory_space<vmem>>
      %dma_start3A_20 = arith.constant 0 : i32
      %dma_start3A_21 = tpu.memref_slice %arg5[%scan3A_17, %dma_start3A_20] : memref<200x128xi32, #tpu.memory_space<vmem>> -> memref<1x128xi32, #tpu.memory_space<vmem>>
      %dma_start3A_22 = tpu.memref_squeeze %dma_start3A_21 : memref<1x128xi32, #tpu.memory_space<vmem>> -> memref<128xi32, #tpu.memory_space<vmem>>
      %dma_start3A_23 = arith.constant 0 : i32
      %dma_start3A_24 = tpu.memref_slice %arg7[%dma_start3A_23] : memref<1015808xf32, #tpu.memory_space<vmem_shared>> -> memref<1015808xf32, #tpu.memory_space<vmem_shared>>
      tpu.enqueue_indirect_dma source(%dma_start3A_24 : memref<1015808xf32, #tpu.memory_space<vmem_shared>>) target(%dma_start3A_19 : memref<128xf32, #tpu.memory_space<vmem>>) offsets(%dma_start3A_22 : memref<128xi32, #tpu.memory_space<vmem>>) semaphore(%arg8 : memref<!tpu.dma_semaphore, #tpu.memory_space<semaphore_mem>>)
    }
    %scan3A_9 = arith.constant 200 : i32
    %dma_wait3A = arith.constant 0 : i32
    %dma_wait3A_10 = arith.constant 0 : i32
    %dma_wait3A_11 = tpu.memref_slice %arg4[%add3A, %dma_wait3A, %dma_wait3A_10] : memref<32x200x128xf32, #tpu.memory_space<hbm>> -> memref<1x200x128xf32, #tpu.memory_space<hbm>>
    %dma_wait3A_12 = tpu.memref_squeeze %dma_wait3A_11 : memref<1x200x128xf32, #tpu.memory_space<hbm>> -> memref<200x128xf32, #tpu.memory_space<hbm>>
    %dma_wait3A_13 = arith.constant 0 : i32
    %dma_wait3A_14 = arith.constant 0 : i32
    %dma_wait3A_15 = tpu.memref_slice %arg4[%add3A, %dma_wait3A_13, %dma_wait3A_14] : memref<32x200x128xf32, #tpu.memory_space<hbm>> -> memref<1x200x128xf32, #tpu.memory_space<hbm>>
    %dma_wait3A_16 = tpu.memref_squeeze %dma_wait3A_15 : memref<1x200x128xf32, #tpu.memory_space<hbm>> -> memref<200x128xf32, #tpu.memory_space<hbm>>
    tpu.wait_dma2 semaphore(%arg8 : memref<!tpu.dma_semaphore, #tpu.memory_space<semaphore_mem>>) src(%dma_wait3A_16 : memref<200x128xf32, #tpu.memory_space<hbm>>) dst(%arg6 : memref<200x128xf32, #tpu.memory_space<vmem>>)
    "tpu.region"() ({
      %run_scoped3A = tpu.sem_alloc : memref<!tpu.dma_semaphore, #tpu.memory_space<semaphore_mem>>
      %dma_start3A = arith.constant 0 : i32
      %dma_start3A_17 = arith.constant 0 : i32
      %dma_start3A_18 = tpu.memref_slice %arg4[%add3A, %dma_start3A, %dma_start3A_17] : memref<32x200x128xf32, #tpu.memory_space<hbm>> -> memref<1x200x128xf32, #tpu.memory_space<hbm>>
      %dma_start3A_19 = tpu.memref_squeeze %dma_start3A_18 : memref<1x200x128xf32, #tpu.memory_space<hbm>> -> memref<200x128xf32, #tpu.memory_space<hbm>>
      %dma_start3A_20 = arith.constant 0 : i32
      %dma_start3A_21 = arith.constant 0 : i32
      %dma_start3A_22 = tpu.memref_slice %arg4[%add3A, %dma_start3A_20, %dma_start3A_21] : memref<32x200x128xf32, #tpu.memory_space<hbm>> -> memref<1x200x128xf32, #tpu.memory_space<hbm>>
      %dma_start3A_23 = tpu.memref_squeeze %dma_start3A_22 : memref<1x200x128xf32, #tpu.memory_space<hbm>> -> memref<200x128xf32, #tpu.memory_space<hbm>>
      tpu.enqueue_dma source(%arg6 : memref<200x128xf32, #tpu.memory_space<vmem>>) target(%dma_start3A_23 : memref<200x128xf32, #tpu.memory_space<hbm>>) target_semaphore(%run_scoped3A : memref<!tpu.dma_semaphore, #tpu.memory_space<semaphore_mem>>)
      %dma_wait3A_24 = arith.constant 0 : i32
      %dma_wait3A_25 = arith.constant 0 : i32
      %dma_wait3A_26 = tpu.memref_slice %arg4[%add3A, %dma_wait3A_24, %dma_wait3A_25] : memref<32x200x128xf32, #tpu.memory_space<hbm>> -> memref<1x200x128xf32, #tpu.memory_space<hbm>>
      %dma_wait3A_27 = tpu.memref_squeeze %dma_wait3A_26 : memref<1x200x128xf32, #tpu.memory_space<hbm>> -> memref<200x128xf32, #tpu.memory_space<hbm>>
      %dma_wait3A_28 = arith.constant 0 : i32
      %dma_wait3A_29 = arith.constant 0 : i32
      %dma_wait3A_30 = tpu.memref_slice %arg4[%add3A, %dma_wait3A_28, %dma_wait3A_29] : memref<32x200x128xf32, #tpu.memory_space<hbm>> -> memref<1x200x128xf32, #tpu.memory_space<hbm>>
      %dma_wait3A_31 = tpu.memref_squeeze %dma_wait3A_30 : memref<1x200x128xf32, #tpu.memory_space<hbm>> -> memref<200x128xf32, #tpu.memory_space<hbm>>
      tpu.wait_dma2 semaphore(%run_scoped3A : memref<!tpu.dma_semaphore, #tpu.memory_space<semaphore_mem>>) src(%arg6 : memref<200x128xf32, #tpu.memory_space<vmem>>) dst(%dma_wait3A_31 : memref<200x128xf32, #tpu.memory_space<hbm>>)
      tpu.yield
    }) : () -> ()
    return
  }
}

module attributes {stable_mosaic.version = 14 : i64} {
  func.func @_matvec_body(%arg0: i32, %arg1: memref<64x32768xf32, #tpu.memory_space<vmem>>, %arg2: memref<1x64xf32, #tpu.memory_space<vmem>>, %arg3: memref<1x1x32768xf32, #tpu.memory_space<vmem>>) attributes {dimension_semantics = [#tpu.dimension_semantics<arbitrary>], iteration_bounds = array<i64: 31>, scalar_prefetch = 0 : i64, scratch_operands = 0 : i64, tpu.core_type = #tpu.core_type<tc>, window_params = [{transform_indices = @transform_0, window_bounds = array<i64: 64, 32768>}, {pipeline_mode = #tpu.pipeline_mode<synchronous>, transform_indices = @transform_1, window_bounds = array<i64: 1, 64>}, {transform_indices = @transform_2, window_bounds = array<i64: 1, 1, 32768>}]} {
    %get3A = arith.constant 0 : index
    %get3A_0 = arith.constant 0 : index
    %get3A_1 = vector.load %arg2[%get3A, %get3A_0] : memref<1x64xf32, #tpu.memory_space<vmem>>, vector<1x64xf32>
    %get3A_2 = arith.constant 0 : index
    %get3A_3 = arith.constant 0 : index
    %get3A_4 = vector.load %arg1[%get3A_2, %get3A_3] : memref<64x32768xf32, #tpu.memory_space<vmem>>, vector<64x32768xf32>
    %dot_general3A = arith.constant dense<0.000000e+00> : vector<1x32768xf32>
    %dot_general3A_5 = tpu.matmul %get3A_1, %get3A_4, %dot_general3A {dimension_numbers = #tpu.dot_dimension_numbers<[1], [0], [0], [1], [0, 0, 1, 1], [], []>, transpose_lhs_hint = false} : vector<1x64xf32>, vector<64x32768xf32>, vector<1x32768xf32> -> vector<1x32768xf32>
    %swap3A = arith.constant 0 : index
    %swap3A_6 = arith.constant 0 : index
    %swap3A_7 = arith.constant 0 : index
    %swap3A_8 = vector.load %arg3[%swap3A, %swap3A_6, %swap3A_7] : memref<1x1x32768xf32, #tpu.memory_space<vmem>>, vector<1x1x32768xf32>
    %swap3A_9 = vector.shape_cast %swap3A_8 : vector<1x1x32768xf32> to vector<1x32768xf32>
    %swap3A_10 = vector.shape_cast %dot_general3A_5 : vector<1x32768xf32> to vector<1x1x32768xf32>
    tpu.vector_store %arg3[%swap3A, %swap3A_6, %swap3A_7], %swap3A_10 {strides = array<i32>} : memref<1x1x32768xf32, #tpu.memory_space<vmem>>, vector<1x1x32768xf32>,
    return
  }
  func.func @transform_0(%arg0: i32) -> (i32, i32) {
    %c0_i32 = arith.constant 0 : i32
    %c0_i32_0 = arith.constant 0 : i32
    return %c0_i32, %arg0 : i32, i32
  }
  func.func @transform_1(%arg0: i32) -> (i32, i32) {
    %c0_i32 = arith.constant 0 : i32
    %c0_i32_0 = arith.constant 0 : i32
    %c0_i32_1 = arith.constant 0 : i32
    return %c0_i32, %c0_i32_0 : i32, i32
  }
  func.func @transform_2(%arg0: i32) -> (i32, i32, i32) {
    %c0_i32 = arith.constant 0 : i32
    %c0_i32_0 = arith.constant 0 : i32
    %c0_i32_1 = arith.constant 0 : i32
    return %arg0, %c0_i32, %c0_i32_0 : i32, i32, i32
  }
}

module attributes {stable_mosaic.version = 14 : i64} {
  func.func @_head_body(%arg0: memref<200x4096xf32, #tpu.memory_space<vmem>>, %arg1: memref<2x200xf32, #tpu.memory_space<vmem>>, %arg2: memref<1x1xf32, #tpu.memory_space<vmem>>, %arg3: memref<2x4096xf32, #tpu.memory_space<vmem>>) attributes {dimension_semantics = [], scalar_prefetch = 0 : i64, scratch_operands = 0 : i64, tpu.core_type = #tpu.core_type<tc>} {
    %get3A = arith.constant 0 : index
    %get3A_0 = arith.constant 0 : index
    %get3A_1 = vector.load %arg0[%get3A, %get3A_0] : memref<200x4096xf32, #tpu.memory_space<vmem>>, vector<200x4096xf32>
    %get3A_2 = arith.constant 0 : index
    %get3A_3 = arith.constant 0 : index
    %get3A_4 = vector.load %arg1[%get3A_2, %get3A_3] : memref<2x200xf32, #tpu.memory_space<vmem>>, vector<2x200xf32>
    %dot_general3A = arith.constant dense<0.000000e+00> : vector<2x4096xf32>
    %dot_general3A_5 = tpu.matmul %get3A_4, %get3A_1, %dot_general3A {dimension_numbers = #tpu.dot_dimension_numbers<[1], [0], [0], [1], [0, 0, 1, 1], [], []>, transpose_lhs_hint = false} : vector<2x200xf32>, vector<200x4096xf32>, vector<2x4096xf32> -> vector<2x4096xf32>
    %get3A_6 = arith.constant 0 : index
    %get3A_7 = arith.constant 0 : index
    %get3A_8 = vector.load %arg2[%get3A_6, %get3A_7] : memref<1x1xf32, #tpu.memory_space<vmem>>, vector<1x1xf32>
    %get3A_9 = vector.extract %get3A_8[0, 0] : f32 from vector<1x1xf32>
    %reduce_sum3A = arith.constant dense<0.000000e+00> : vector<2xf32>
    %reduce_sum3A_10 = vector.multi_reduction <add>, %get3A_4, %reduce_sum3A [1] : vector<2x200xf32> to vector<2xf32>
    %mul3A = vector.broadcast %get3A_9 : f32 to vector<2xf32>
    %mul3A_11 = arith.mulf %mul3A, %reduce_sum3A_10 : vector<2xf32>
    %broadcast_in_dim3A = vector.shape_cast %mul3A_11 : vector<2xf32> to vector<2x1xf32>
    %add3A = vector.broadcast %broadcast_in_dim3A : vector<2x1xf32> to vector<2x4096xf32>
    %add3A_12 = arith.addf %dot_general3A_5, %add3A : vector<2x4096xf32>
    %reduce_max3A = arith.constant dense<0xFF800000> : vector<4096xf32>
    %reduce_max3A_13 = vector.multi_reduction <maximumf>, %add3A_12, %reduce_max3A [0] : vector<2x4096xf32> to vector<4096xf32>
    %broadcast_in_dim3A_14 = vector.shape_cast %reduce_max3A_13 : vector<4096xf32> to vector<1x4096xf32>
    %sub3A = vector.broadcast %broadcast_in_dim3A_14 : vector<1x4096xf32> to vector<2x4096xf32>
    %sub3A_15 = arith.subf %add3A_12, %sub3A : vector<2x4096xf32>
    %exp3A = math.exp %sub3A_15 : vector<2x4096xf32>
    %reduce_sum3A_16 = arith.constant dense<0.000000e+00> : vector<4096xf32>
    %reduce_sum3A_17 = vector.multi_reduction <add>, %exp3A, %reduce_sum3A_16 [0] : vector<2x4096xf32> to vector<4096xf32>
    %broadcast_in_dim3A_18 = vector.shape_cast %reduce_sum3A_17 : vector<4096xf32> to vector<1x4096xf32>
    %log3A = math.log %broadcast_in_dim3A_18 : vector<1x4096xf32>
    %add3A_19 = arith.addf %broadcast_in_dim3A_14, %log3A : vector<1x4096xf32>
    %sub3A_20 = vector.broadcast %add3A_19 : vector<1x4096xf32> to vector<2x4096xf32>
    %sub3A_21 = arith.subf %add3A_12, %sub3A_20 : vector<2x4096xf32>
    %swap3A = arith.constant 0 : index
    %swap3A_22 = arith.constant 0 : index
    %swap3A_23 = vector.load %arg3[%swap3A, %swap3A_22] : memref<2x4096xf32, #tpu.memory_space<vmem>>, vector<2x4096xf32>
    tpu.vector_store %arg3[%swap3A, %swap3A_22], %sub3A_21 {strides = array<i32>} : memref<2x4096xf32, #tpu.memory_space<vmem>>, vector<2x4096xf32>,
    return
  }
}

</mosaic_0001>

<sc_bundles>
// kernel: kernel.5.cloned.1.call-start
scs
__scs_entry_jumppad:
0x0: {  	(pc) =	sbr.rel $0x88, $3  }
0x1: {  	(tag) =	ssettag $0x0;
	lr =	simm.s32 $0x1  }
0x2: {  	[smem:$0x3F9C] =	sst lr;
	_ =	strace $0xD0000000  }
0x3: {  	_ = 	snop  }
0x4: {  	_ = 	snop  }
0x5: {  	_ = 	snop  }
0x6: {  	_ = 	snop  }
0x7: {  	_ = 	snop  }
__scs_overlays_trampoline_lowered:
0x8: {  	[smem:$0x3FAB] =	sst s0  }
0x9: {  	[smem:$0x3FAC] =	sst s1  }
0xa: {  	[smem:$0x3FAD] =	sst s2  }
0xb: {  	[smem:$0x3FAE] =	sst s3  }
0xc: {  	[smem:$0x3FAF] =	sst s4  }
0xd: {  	[smem:$0x3FB0] =	sst s5  }
0xe: {  	[smem:$0x3FB1] =	sst s6  }
0xf: {  	[smem:$0x3FB2] =	sst s7  }
0x10: {  	[smem:$0x3FB3] =	sst s8  }
0x11: {  	[smem:$0x3FB4] =	sst s9;
	s0 =	simm.s32 @!p0 $0x0  }
0x12: {  	s1 =	sld [smem:$0x3F9A];
	s0 =	simm.s32 @p0 $0x1  }
0x13: {  	[smem:$0x3FB5] =	sst s0;
	s0 =	simm.s32 @!p1 $0x0  }
0x14: {  	s2 =	sld [smem:$0x3F99];
	s0 =	simm.s32 @p1 $0x1  }
0x15: {  	[smem:$0x3FB6] =	sst s0;
	s0 =	simm.s32 @!p2 $0x0  }
0x16: {  	s3 =	sld [smem:$0x3FDB];
	s0 =	simm.s32 @p2 $0x1  }
0x17: {  	s4 =	simm.s32 $0x1BF5;
	[smem:$0x3FB8] =	sst s0  }
0x18: {  	s0 =	sld [smem:$0x3F9B];
	_ =	swait.ge [sflag:s4], $0x0  }
0x19: {  	s7 =	sld [smem:$0x3F9C]  }
0x1a: {  	s8 =	sadd.s32 $0xFFFFE003, lr  }
0x1b: {  	s9 =	sadd.s32 $0xFFFFFEF7, lr;
	s5 =	simm.s32 $0xFFFFFFFF;
	p2 =	slt.u32 s8, $0xFFFFF086  }
0x1c: {  	p1 =	slt.u32 s9, $0xF7A;
	s5 =	simm.s32 @!p2 $0x0  }
0x1d: {  	s5 =	simm.s32 @p1 $0x1;
	p0 =	seq.s32 s7, s2  }
0x1e: {  	s7 =	smul.u32 @!p0 $0xF7A, s2;
	p2 =	seq.s32 @!p0 s5, $0x0  }
0x1f: {  	s9 =	smul.u32 $0xF7A, s1;
	s8 =	simm.s32 @!p0 $0x1BF5;
	p2 =	por !p2, p0  }
0x20: {  	[sflag:s8] =	ssyncset.s32 @!p0 $0xFFFFF086;
	s6 =	sadd.s32 @!p0 s3, s7;
	s7 =	simm.s32 @!p0 $0x108  }
0x21: {  	s3 =	sadd.s32 s3, s9;
	s6 =	sadd.s32 @!p0 $0x88, s6;
	s7 =	simm.s32 @p2 $0x1082  }
0x22: {  	[simem:s7], [sflag:s8] =	dma.local @!p0 [hbm:s6], $0xF7A  }
0x23: {  	s9 =	sor.u32 $0xD0000000, s2;
	s6 =	simm.s32 $0x108;
	_ =	swait.ge @!p0 [sflag:s8], $0x0  }
0x24: {  	s3 =	sadd.s32 $0x88, s3;
	s6 =	simm.s32 @!p1 $0x1082;
	[sflag:s4] =	ssyncset.s32 $0xFFFFF086  }
0x25: {  	[simem:s6], [sflag:s4] =	dma.local [hbm:s3], $0xF7A  }
0x26: {  	[smem:$0x3F9C] =	sst s1;
	(tag) =	ssettag s2;
	_ =	strace s9  }
0x27: {  	s1 =	sld [smem:$0x3FAC]  }
0x28: {  	s2 =	sld [smem:$0x3FAD]  }
0x29: {  	s4 =	sld [smem:$0x3FAF]  }
0x2a: {  	p0 =	seq.s32 s5, $0x0;
	s5 =	sld [smem:$0x3FB0]  }
0x2b: {  	s6 =	sld [smem:$0x3FB1]  }
0x2c: {  	s7 =	sld [smem:$0x3FB2]  }
0x2d: {  	s3 =	simm.s32 $0x108;
	s8 =	sld [smem:$0x3FB3]  }
0x2e: {  	s3 =	simm.s32 @!p0 $0x1082;
	s9 =	sld [smem:$0x3FB4]  }
0x2f: {  	lr =	sadd.s32 s0, s3;
	s0 =	sld [smem:$0x3FAB]  }
0x30: {  	s3 =	sld [smem:$0x3FAE]  }
0x31: {  	[smem:$0x3FB7] =	sst s10  }
0x32: {  	s10 =	sld [smem:$0x3FB5];
	_ =	sdelay $0x3  }
0x33: {  	p0 =	seq.s32 s10, $0x1;
	s10 =	sld [smem:$0x3FB7];
	_ =	sdelay $0x3  }
0x34: {  	[smem:$0x3FB7] =	sst s10  }
0x35: {  	s10 =	sld [smem:$0x3FB6];
	_ =	sdelay $0x3  }
0x36: {  	p1 =	seq.s32 s10, $0x1;
	s10 =	sld [smem:$0x3FB7];
	_ =	sdelay $0x3  }
0x37: {  	[smem:$0x3FB7] =	sst s10  }
0x38: {  	s10 =	sld [smem:$0x3FB8]  }
0x39: {  	_ = 	snop;
	(pc) =	sbr.ind lr, $3  }
0x3a: {  	_ = 	snop  }
0x3b: {  	_ = 	snop  }
0x3c: {  	p2 =	seq.s32 s10, $0x1;
	s10 =	sld [smem:$0x3FB7]  }
0x3d: {  	_ =	shalt  }
0x3e: {  	_ =	shalt  }
0x3f: {  	_ =	shalt  }
0x40: {  	_ =	shalt  }
0x41: {  	_ =	shalt  }
0x42: {  	_ =	shalt  }
0x43: {  	_ =	shalt  }
0x44: {  	_ =	shalt  }
0x45: {  	_ =	shalt  }
0x46: {  	_ =	shalt  }
0x47: {  	_ =	shalt  }
0x48: {  	_ =	shalt  }
0x49: {  	_ =	shalt  }
0x4a: {  	_ =	shalt  }
0x4b: {  	_ =	shalt  }
0x4c: {  	_ =	shalt  }
0x4d: {  	_ =	shalt  }
0x4e: {  	_ =	shalt  }
0x4f: {  	_ =	shalt  }
0x50: {  	_ =	shalt  }
0x51: {  	_ =	shalt  }
0x52: {  	_ =	shalt  }
0x53: {  	_ =	shalt  }
0x54: {  	_ =	shalt  }
0x55: {  	_ =	shalt  }
0x56: {  	_ =	shalt  }
0x57: {  	_ =	shalt  }
0x58: {  	_ =	shalt  }
0x59: {  	_ =	shalt  }
0x5a: {  	_ =	shalt  }
0x5b: {  	_ =	shalt  }
0x5c: {  	_ =	shalt  }
0x5d: {  	_ =	shalt  }
0x5e: {  	_ =	shalt  }
0x5f: {  	_ =	shalt  }
0x60: {  	_ =	shalt  }
0x61: {  	_ =	shalt  }
0x62: {  	_ =	shalt  }
0x63: {  	_ =	shalt  }
0x64: {  	_ =	shalt  }
0x65: {  	_ =	shalt  }
0x66: {  	_ =	shalt  }
0x67: {  	_ =	shalt  }
0x68: {  	_ =	shalt  }
0x69: {  	_ =	shalt  }
0x6a: {  	_ =	shalt  }
0x6b: {  	_ =	shalt  }
0x6c: {  	_ =	shalt  }
0x6d: {  	_ =	shalt  }
0x6e: {  	_ =	shalt  }
0x6f: {  	_ =	shalt  }
0x70: {  	_ =	shalt  }
0x71: {  	_ =	shalt  }
0x72: {  	_ =	shalt  }
0x73: {  	_ =	shalt  }
0x74: {  	_ =	shalt  }
0x75: {  	_ =	shalt  }
0x76: {  	_ =	shalt  }
0x77: {  	_ =	shalt  }
0x78: {  	_ =	shalt  }
0x79: {  	_ =	shalt  }
0x7a: {  	_ =	shalt  }
0x7b: {  	_ =	shalt  }
0x7c: {  	_ =	shalt  }
0x7d: {  	_ =	shalt  }
0x7e: {  	_ =	shalt  }
0x7f: {  	_ =	shalt  }
0x80: {  	_ =	shalt  }
0x81: {  	_ =	shalt  }
0x82: {  	_ =	shalt  }
0x83: {  	_ =	shalt  }
0x84: {  	_ =	shalt  }
0x85: {  	_ =	shalt  }
0x86: {  	_ =	shalt  }
0x87: {  	_ =	shalt  }
.Lfunc_end0:
.L_simem_size_0:
called_computation_lowered:
.L_overlay_start_0:
0x88: {  	s2 =	sld [smem:$0x3FD9]  }
0x89: {  	s3 =	sld [smem:$0x3FFE];
	_ =	sdelay $0x1  }
0x8a: {  	s1 =	srdreg.scid  }
0x8b: {  	s0 =	sand.u32 $0x1, s1  }
0x8c: {  	s16 =	sshll.u32 s0, $0xA;
	s2 =	sadd.s32 s3, s2  }
0x8d: {  	s2 =	sadd.s32 s2, s16  }
0x8e: {  	[smem:$0x3FC3] =	sst s2  }
0x8f: {  	_ = 	snop  }
0x90: {  	(tm) =	ssettm $0x1  }
0x91: {  	s17 =	sld [smem:$0x3FFB];
	_ =	sdelay $0x3  }
0x92: {  	_ =	strace s17  }
0x93: {  	s2 =	sld [smem:$0x3FFC];
	_ =	sdelay $0x3  }
0x94: {  	_ =	strace s2  }
0x95: {  	s2 =	sld [smem:$0x3FFD];
	_ =	sdelay $0x3  }
0x96: {  	_ =	strace s2  }
0x97: {  	_ =	strace $0x8FFFFFFF  }
0x98: {  	s18 =	sld [smem:$0x3FDB];
	_ =	sdelay $0x1  }
0x99: {  	s19 =	simm.s32 $_scs_section_size  }
0x9a: {  	s4 =	simm.s32 $_size__tile_overlayer_lowered;
	s5 =	simm.s32 $_tile_overlayer_lowered  }
0x9b: {  	s22 =	simm.s32 $0x1BFF;
	s21 =	sshll.u32 s5, $0x1;
	s2 =	sadd.s32 s19, s18  }
0x9c: {  	s6 =	simm.s32 $0x0;
	s20 =	sshll.u32 s4, $0x1;
	s4 =	sadd.s32 s21, s2  }
0x9d: {  	[timem:s6], [sflag:s22] =	dma.local [hbm:s4], s20  }
0x9e: {  	_ =	swait.ge [sflag:s22], s20  }
0x9f: {  	s3 =	ssub.s32 $0x0, s20;
	[sflag:s22] =	ssyncset.done $0x0  }
0xa0: {  	[sflag:s22] =	ssyncadd.s32 s3;
	_ =	sdelay $0x1  }
0xa1: {  	s23 =	simm.s32 $0x1B8B  }
0xa2: {  	_ =	swait.ge [sflag:s23], $0x1  }
0xa3: {  	[sflag:s23] =	ssyncset.done $0x0  }
0xa4: {  	s25 =	simm.s32 $0x1B8E;
	s24 =	sld [smem:$0x3FFE];
	[sflag:s23] =	ssyncadd.s32 $0xFFFFFFFF  }
0xa5: {  	s26 =	simm.s32 $execute0_lowered;
	[smem:$0x3FD2] =	sst s25  }
0xa6: {  	s4 =	sshll.u32 s26, $0x1;
	_ =	strace $0x80000046;
	[dreg:$0x1] =	wrdreg $0xFFFFFFFF  }
0xa7: {  	s28 =	simm.s32 $_size_execute0_lowered;
	s2 =	sadd.s32 s2, s4;
	[dreg:$0x0] =	wrdreg $0x0  }
0xa8: {  	s4 =	sshll.u32 s28, $0x1;
	[dreg:$0x2] =	wrdreg s2  }
0xa9: {  	[dreg:$0x3] =	wrdreg s4  }
0xaa: {  	[dreg:$0x4] =	wrdreg $0xC0  }
0xab: {  	_ =	task [dreg:s6], $0x5FFFF  }
0xac: {  	[dreg:$0x1] =	wrdreg $0xFFFFFFFF  }
0xad: {  	[dreg:$0x0] =	wrdreg $0x60  }
0xae: {  	[dreg:$0x2] =	wrdreg s24  }
0xaf: {  	[dreg:$0x3] =	wrdreg $0xC8000  }
0xb0: {  	[dreg:$0x4] =	wrdreg $0x9  }
0xb1: {  	_ =	task.clear_ibuf [dreg:s6], $0x5FFFF;
	_ =	strace $0x90000046  }
0xb2: {  	s29 =	simm.s32 $0x9;
	_ =	strace $0x80000048  }
0xb3: {  	_ =	swait.ge [sflag:s29], $0x1  }
0xb4: {  	[sflag:s29] =	ssyncadd.s32 $0xFFFFFFFF  }
0xb5: {  	_ =	strace $0x90000048  }
0xb6: {  	_ =	sfence  }
0xb7: {  	s30 =	sld [smem:$0x0];
	_ =	sdelay $0x2  }
0xb8: {  	s31 =	sshll.u32 s1, $0xD;
	s1 =	sshrl.u32 s1, $0x2  }
0xb9: {  	s3 =	sand.u32 $0x4000, s31;
	s1 =	sadd.s32 s1, s30  }
0xba: {  	s0 =	sor.u32 s3, s0;
	s1 =	sshll.u32 s1, $0x11  }
0xbb: {  	s0 =	sor.u32 s1, s0  }
0xbc: {  	s0 =	sadd.s32 $0x8F2B, s0  }
0xbd: {  	[sflag:s0] =	ssyncadd.remote.s32 $0x1  }
0xbe: {  	_ =	sfence.sel $0xFFFF  }
0xbf: {  	[dreg:$0x0] =	wrdreg $0xFFFFFFFF;
	(pc) =	sbr.abs _section_cstart, $3  }
0xc0: {  	[dreg:$0x1] =	wrdreg $0xFFFFFFFF  }
0xc1: {  	_ =	task.clear_ibuf [dreg:s6], $0x2FFFF;
	_ =	strace $0x9FFFFFFF  }
0xc2: {  	(tm) =	ssettm $0x7FFFFFFF  }
0xc3: {  	_ =	shalt  }
tec
execute0_lowered:
.L_overlay_start_1:
0x0: {  	(tag) =	ssettag $0x1  }
0x1: {  	s4 =	rddreg [dreg:$0x0]  }
0x2: {  	s2 =	rddreg [dreg:$0x1]  }
0x3: {  	s0 =	rddreg [dreg:$0x2];
	s3 =	simm.s32 $0x0;
	s1 =	stileid.u32  }
0x4: {  	s5 =	srdreg.scid;
	s11 =	simm.s32 $0x80;
	s12 =	simm.s32 $0x1  }
0x5: {  	s13 =	simm.s32 $0x6400;
	s14 =	simm.s32 $0x0;
	s6 =	smul.u32 $0xF800, s1  }
0x6: {  	s5 =	sand.u32 $0x1, s5;
	s7 =	sshll.u32 s1, $0x1;
	[smem:$0x7FF] =	sst s3  }
0x7: {  	s31 =	sshll.u32 s1, $0x6;
	s7 =	sor.u32 s5, s7;
	s5 =	ssub.s32 $0x2, s5  }
0x8: {  	_ =	strace $0x80000047;
	s8 =	sshrl.u32 s6, $0x3;
	s7 =	smul.u32 $0xC80, s7  }
0x9: {  	s9 =	sshrl.u32 s5, $0x1;
	s10 =	sadd.s32 s6, s2;
	s8 =	sadd.s32 s8, s4  }
0xa: {  	s9 =	ssub.s32 s5, s9;
	s5 =	sor.u32 $0x1C02, s31;
	s7 =	sadd.s32 s7, s4  }
0xb: {  	s4 =	sadd.s32 $0x19A00, s8;
	s8 =	smax.u32 s9, $0x1;
	s9 =	sshrl.u32 s10, $0x3  }
0xc: {  	s10 =	simm.s32 $0x2;
	s6 =	sadd.s32 $0xA00, s7;
	s7 =	sadd.s32 $0x38A00, s7  }
.LBB2_1:
0xd: {  	[spmem:s9], [sflag:s5] =	dma.local [hbm:s4], $0x1F00  }
0xe: {  	_ =	swait.ge [sflag:s10], $0x1F00  }
0xf: {  	[sflag:s10] =	ssyncset.done $0x0  }
0x10: {  	[sflag:s10] =	ssyncadd.s32 $0xFFFFE100  }
0x11: {  	[tilespmem:s3], [sflag:$0x2] =	stream.linear.gather [hbm4b:s6+s3], $0x6400, $0x38;
	[tilespmem:$0x1C000] =	vst v63  }
0x12: {  	_ =	swait.ge [sflag:s10], $0x6400  }
0x13: {  	[sflag:s10] =	ssyncset.done $0x0  }
0x14: {  	s15 =	simm.s32 $0x200;
	[sflag:s10] =	ssyncadd.s32 $0xFFFF9C00  }
0x15: {  	s16 =	simm.s32 $0x0;
	s17 =	simm.s32 $0x6400;
	[bflag:$0x0] =	sbarrier.arrive $0xFFFF  }
.LBB2_2:
0x16: {  	[tilespmem:s17], [sflag:$0x1] =	stream.indirect.gather [spmem:s2], $0x1, s16, s11, $0xb8;
	[tilespmem:$0x1C000] =	vst v63  }
0x17: {  	s16 =	smov.u32 s15;
	p0 =	sne.s32 s15, $0x18E00  }
.Ltmp0:
0x18: {  	s15 =	sadd.s32 $0x200, s15;
	(pc) =	sbr.rel @p0 .LBB2_2-.Ltmp0, $3  }
0x19: {  	_ =	sdelay $0x1  }
0x1a: {  	s16 =	sshra.s32 s16, $0x2  }
0x1b: {  	s17 =	sadd.s32 $0x6400, s16  }
0x1c: {  	[tilespmem:s17], [sflag:$0x1] =	stream.indirect.gather [spmem:s2], $0x1, s16, s11, $0xb8;
	[tilespmem:$0x1C000] =	vst v63  }
0x1d: {  	s14 =	sadd.s32 $0x1, s14;
	_ =	swait.ge [sflag:s12], $0x6400  }
0x1e: {  	p0 =	sne.s32 s14, s8;
	[sflag:s12] =	ssyncset.done $0x0  }
.Ltmp1:
0x1f: {  	[sflag:s12] =	ssyncadd.s32 $0xFFFF9C00;
	(pc) =	sbr.rel @p0 .LBB2_1-.Ltmp1, $4  }
0x20: {  	[hbm4b:s7+s3] =	stream.linear.scatter [tilespmem:s13], [sflag:$0x2], $0x6400, $0x38;
	[tilespmem:$0x1C000] =	vst v63  }
0x21: {  	_ =	swait.ge [sflag:s10], $0x6400  }
0x22: {  	[sflag:s10] =	ssyncset.done $0x0  }
0x23: {  	[sflag:s10] =	ssyncadd.s32 $0xFFFF9C00  }
0x24: {  	_ =	sfence.sel $0x180000  }
0x25: {  	[bflag:$0x0] =	sbarrier.arrive $0xFFFF  }
0x26: {  	p0 =	sne.s32 s1, $0x0;
	_ =	strace $0x90000047  }
0x27: {  	s0 =	sadd.s32 @!p0 $0x100000, s0;
	[bflag:$0x2] =	sbarrier.arrive $0xFFFF  }
0x28: {  	[sflag:s0] =	ssyncadd.tile.s32 @!p0 $0x1;
	_ =	shalt  }
.Lfunc_end2:
_tile_overlayer_lowered:
.L_overlay_start_2:
0x29: {  	(tag) =	ssettag $0x2  }
0x2a: {  	s0 =	rddreg [dreg:$0x0];
	s2 =	stileid.u32  }
0x2b: {  	s1 =	rddreg [dreg:$0x1];
	p0 =	sne.s32 s2, $0x0  }
0x2c: {  	s3 =	rddreg [dreg:$0x2];
	[bflag:$0x3] =	sbarrier.arrive $0xFFFF;
	s2 =	simm.s32 @!p0 $0x1C02  }
0x2d: {  	[timem:s3], [sflag:s2] =	dma.local @!p0 [hbm:s0], s1  }
0x2e: {  	s0 =	simm.s32 @!p0 $0x2  }
0x2f: {  	_ =	swait.ge @!p0 [sflag:s0], s1  }
0x30: {  	s1 =	ssub.s32 @!p0 $0x0, s1;
	[sflag:s0] =	ssyncset.done @!p0 $0x0  }
0x31: {  	[sflag:s0] =	ssyncadd.s32 @!p0 s1  }
0x32: {  	[bflag:$0x3] =	sbarrier.arrive $0xFFFF  }
0x33: {  	_ =	shalt  }

</sc_bundles>
